<compile_context>
chip_gen: v7x
topology: tpu7x:2x2x1
jax: 0.10.2.dev20260603
libtpu: 0.0.44.dev20260713+nightly
codegen_flags: <defaults>
</compile_context>

<pallas_src>
import functools

import jax
import jax.numpy as jnp
from jax import lax
from jax.experimental import pallas as pl
from jax.experimental.pallas import tpu as pltpu
from jax.experimental.pallas import tpu_sc as plsc

MASK_VALUE = -100000.0
NUM_CORES = 2
NUM_SUBCORES = 16
NUM_WORKERS = NUM_CORES * NUM_SUBCORES
LANES = 16
D = 128
BUF_ROWS = 64


def _make_sc_kernel(B):
    rows_per_w = B // NUM_WORKERS
    n_dma = rows_per_w // BUF_ROWS
    mesh = plsc.VectorSubcoreMesh(
        core_axis_name="c", subcore_axis_name="s", num_cores=NUM_CORES
    )

    @functools.partial(
        pl.kernel,
        out_type=[
            jax.ShapeDtypeStruct((B * D,), jnp.float32),
            jax.ShapeDtypeStruct((B,), jnp.float32),
        ],
        mesh=mesh,
        scratch_types=[
            pltpu.VMEM((D,), jnp.float32),
            pltpu.VMEM((BUF_ROWS * D,), jnp.float32),
            pltpu.VMEM((rows_per_w,), jnp.float32),
            pltpu.SemaphoreType.DMA,
        ],
    )
    def sc_kernel(mask_hbm, logits_hbm, critic_hbm, mask_v, buf_v, critic_v, sem):
        cid = lax.axis_index("c")
        sid = lax.axis_index("s")
        wid = sid * NUM_CORES + cid
        base = wid * rows_per_w

        pltpu.sync_copy(mask_hbm.at[0], mask_v)

        zeros16 = jnp.zeros((LANES,), jnp.float32)
        maskval16 = jnp.full((LANES,), MASK_VALUE, jnp.float32)
        chunks = []
        for c in range(D // LANES):
            m = mask_v[pl.ds(c * LANES, LANES)]
            chunks.append(jnp.where(m == 0.0, zeros16, maskval16))

        def fill_row(r, _):
            for c in range(D // LANES):
                buf_v[pl.ds(r * D + c * LANES, LANES)] = chunks[c]
            return _

        lax.fori_loop(0, BUF_ROWS, fill_row, 0)

        def fill_zero(j, _):
            critic_v[pl.ds(j * LANES, LANES)] = zeros16
            return _

        lax.fori_loop(0, rows_per_w // LANES, fill_zero, 0)

        copies = []
        for d_i in range(n_dma):
            dst = logits_hbm.at[pl.ds((base + d_i * BUF_ROWS) * D, BUF_ROWS * D)]
            copies.append(pltpu.async_copy(buf_v, dst, sem))
        copies.append(
            pltpu.async_copy(critic_v, critic_hbm.at[pl.ds(base, rows_per_w)], sem)
        )
        for cp in copies:
            cp.wait()

    return sc_kernel


def kernel(inputs, all_action_masks):
    B = inputs.shape[0]
    logits_flat, critic_flat = _make_sc_kernel(B)(all_action_masks)
    return logits_flat.reshape(B, D), critic_flat.reshape(B, 1)

# --- scband reference (transcript-rebuilt; emitter-appended) ---
"""Pipeline reference for scband-policy-random-77326591197277 (READ-ONLY COPY).

The authoritative reference and input builder live on the scoring server;
editing this copy changes nothing except your own understanding.
"""

import jax, jax.numpy as jnp
import numpy as np

MAX_ACTION_DIM = 128
MASK_VALUE = -100000.0
NUM_HEADS = 2


def _build_all_action_masks():
    # production_masks: 'cmd' -> all ones, 'arg' -> mixed pattern (faithful to __init__)
    cmd_mask = np.ones((MAX_ACTION_DIM,), dtype=np.int64)
    arg_mask = np.ones((MAX_ACTION_DIM,), dtype=np.int64)
    arg_mask[28:64] = 0
    arg_mask[96:128] = 0
    all_masks = np.full((NUM_HEADS, MAX_ACTION_DIM), MASK_VALUE, dtype=np.float32)
    for row, mask in enumerate([cmd_mask, arg_mask]):
        keep = mask.astype(bool)
        all_masks[row, keep] = 0.0
    return jnp.asarray(all_masks)


def setup_inputs(seed: int = 0) -> dict:
    key = jax.random.key(seed)
    inputs = jax.random.randint(key, (16384, 50), 0, 100000, dtype=jnp.int32)
    all_action_masks = _build_all_action_masks()
    return {"inputs": inputs, "all_action_masks": all_action_masks}


def reference(inputs, all_action_masks):
    B = inputs.shape[0]
    # _validate_inputs: x >= 0 guaranteed by construction (randint low=0)
    raw_logits = jnp.zeros((B, MAX_ACTION_DIM), dtype=jnp.float32)
    # head_keys is None -> every row uses cmd head (index 0)
    head_idx = jnp.zeros((B,), dtype=jnp.int32)
    keep_mask = jnp.take(all_action_masks, head_idx, axis=0) == 0.0
    masked_logits = jnp.where(keep_mask, raw_logits, jnp.full_like(raw_logits, MASK_VALUE))
    critic_vals = jnp.zeros((B, 1), dtype=jnp.float32)
    return masked_logits, critic_vals

if __name__ == "__main__":
    import jax
    _d = setup_inputs()
    print(jax.jit(kernel)(*tuple(_d.values())))

</pallas_src>

<mosaic_0001>
#map = affine_map<(d0, d1) -> (0, 0)>
#map1 = affine_map<(d0, d1) -> (0)>
module attributes {stable_mosaic.version = 14 : i64} {
  func.func @sc_kernel(%arg0: i32, %arg1: i32, %arg2: memref<2x128xf32, #tpu.memory_space<hbm>>, %arg3: memref<2097152xf32, #tpu.memory_space<hbm>>, %arg4: memref<16384xf32, #tpu.memory_space<hbm>>, %arg5: memref<128xf32, #tpu.memory_space<vmem>>, %arg6: memref<8192xf32, #tpu.memory_space<vmem>>, %arg7: memref<512xf32, #tpu.memory_space<vmem>>, %arg8: memref<!tpu.dma_semaphore, #tpu.memory_space<semaphore_mem>>) attributes {dimension_semantics = [#tpu.dimension_semantics<core_parallel>, #tpu.dimension_semantics<subcore_parallel>], iteration_bounds = array<i64: 2, 16>, scalar_prefetch = 0 : i64, scratch_operands = 4 : i64, tpu.core_type = #tpu.core_type<sc_vector_subcore>, window_params = [{transform_indices = #map}, {transform_indices = #map1}, {transform_indices = #map1}]} {
    %mul3A = arith.constant 2 : i32
    %mul3A_0 = arith.muli %arg1, %mul3A : i32
    %add3A = arith.addi %mul3A_0, %arg0 : i32
    %mul3A_1 = arith.constant 512 : i32
    %mul3A_2 = arith.muli %add3A, %mul3A_1 : i32
    %run_scoped3A = arith.constant 0 : i32
    "tpu.region"() ({
      %run_scoped3A_136 = tpu.sem_alloc : memref<!tpu.dma_semaphore, #tpu.memory_space<semaphore_mem>>
      %dma_start3A_137 = arith.constant 0 : i32
      %dma_start3A_138 = tpu.memref_slice %arg2[%run_scoped3A, %dma_start3A_137] : memref<2x128xf32, #tpu.memory_space<hbm>> -> memref<1x128xf32, #tpu.memory_space<hbm>>
      %dma_start3A_139 = tpu.memref_squeeze %dma_start3A_138 : memref<1x128xf32, #tpu.memory_space<hbm>> -> memref<128xf32, #tpu.memory_space<hbm>>
      %dma_start3A_140 = arith.constant 0 : i32
      %dma_start3A_141 = tpu.memref_slice %arg2[%run_scoped3A, %dma_start3A_140] : memref<2x128xf32, #tpu.memory_space<hbm>> -> memref<1x128xf32, #tpu.memory_space<hbm>>
      %dma_start3A_142 = tpu.memref_squeeze %dma_start3A_141 : memref<1x128xf32, #tpu.memory_space<hbm>> -> memref<128xf32, #tpu.memory_space<hbm>>
      tpu.enqueue_dma source(%dma_start3A_142 : memref<128xf32, #tpu.memory_space<hbm>>) target(%arg5 : memref<128xf32, #tpu.memory_space<vmem>>) target_semaphore(%run_scoped3A_136 : memref<!tpu.dma_semaphore, #tpu.memory_space<semaphore_mem>>)
      %dma_wait3A_143 = arith.constant 0 : i32
      %dma_wait3A_144 = tpu.memref_slice %arg2[%run_scoped3A, %dma_wait3A_143] : memref<2x128xf32, #tpu.memory_space<hbm>> -> memref<1x128xf32, #tpu.memory_space<hbm>>
      %dma_wait3A_145 = tpu.memref_squeeze %dma_wait3A_144 : memref<1x128xf32, #tpu.memory_space<hbm>> -> memref<128xf32, #tpu.memory_space<hbm>>
      %dma_wait3A_146 = arith.constant 0 : i32
      %dma_wait3A_147 = tpu.memref_slice %arg2[%run_scoped3A, %dma_wait3A_146] : memref<2x128xf32, #tpu.memory_space<hbm>> -> memref<1x128xf32, #tpu.memory_space<hbm>>
      %dma_wait3A_148 = tpu.memref_squeeze %dma_wait3A_147 : memref<1x128xf32, #tpu.memory_space<hbm>> -> memref<128xf32, #tpu.memory_space<hbm>>
      tpu.wait_dma2 semaphore(%run_scoped3A_136 : memref<!tpu.dma_semaphore, #tpu.memory_space<semaphore_mem>>) src(%dma_wait3A_148 : memref<128xf32, #tpu.memory_space<hbm>>) dst(%arg5 : memref<128xf32, #tpu.memory_space<vmem>>)
      tpu.yield
    }) : () -> ()
    %broadcast_in_dim3A = arith.constant 0.000000e+00 : f32
    %broadcast_in_dim3A_3 = vector.broadcast %broadcast_in_dim3A : f32 to vector<16xf32>
    %broadcast_in_dim3A_4 = arith.constant -1.000000e+05 : f32
    %broadcast_in_dim3A_5 = vector.broadcast %broadcast_in_dim3A_4 : f32 to vector<16xf32>
    %get3A = arith.constant 0 : index
    %get3A_6 = tpu.vector_load %arg5[%get3A] {strides = array<i32>} : memref<128xf32, #tpu.memory_space<vmem>>, vector<16xf32>,
    %get3A_7 = vector.shape_cast %get3A_6 : vector<16xf32> to vector<16xf32>
    %eq3A = arith.constant 0.000000e+00 : f32
    %eq3A_8 = vector.broadcast %eq3A : f32 to vector<16xf32>
    %eq3A_9 = arith.cmpf oeq, %get3A_7, %eq3A_8 : vector<16xf32>
    %select_n3A = arith.select %eq3A_9, %broadcast_in_dim3A_3, %broadcast_in_dim3A_5 : vector<16xi1>, vector<16xf32>
    %get3A_10 = arith.constant 16 : index
    %get3A_11 = tpu.vector_load %arg5[%get3A_10] {strides = array<i32>} : memref<128xf32, #tpu.memory_space<vmem>>, vector<16xf32>,
    %get3A_12 = vector.shape_cast %get3A_11 : vector<16xf32> to vector<16xf32>
    %eq3A_13 = arith.constant 0.000000e+00 : f32
    %eq3A_14 = vector.broadcast %eq3A_13 : f32 to vector<16xf32>
    %eq3A_15 = arith.cmpf oeq, %get3A_12, %eq3A_14 : vector<16xf32>
    %select_n3A_16 = arith.select %eq3A_15, %broadcast_in_dim3A_3, %broadcast_in_dim3A_5 : vector<16xi1>, vector<16xf32>
    %get3A_17 = arith.constant 32 : index
    %get3A_18 = tpu.vector_load %arg5[%get3A_17] {strides = array<i32>} : memref<128xf32, #tpu.memory_space<vmem>>, vector<16xf32>,
    %get3A_19 = vector.shape_cast %get3A_18 : vector<16xf32> to vector<16xf32>
    %eq3A_20 = arith.constant 0.000000e+00 : f32
    %eq3A_21 = vector.broadcast %eq3A_20 : f32 to vector<16xf32>
    %eq3A_22 = arith.cmpf oeq, %get3A_19, %eq3A_21 : vector<16xf32>
    %select_n3A_23 = arith.select %eq3A_22, %broadcast_in_dim3A_3, %broadcast_in_dim3A_5 : vector<16xi1>, vector<16xf32>
    %get3A_24 = arith.constant 48 : index
    %get3A_25 = tpu.vector_load %arg5[%get3A_24] {strides = array<i32>} : memref<128xf32, #tpu.memory_space<vmem>>, vector<16xf32>,
    %get3A_26 = vector.shape_cast %get3A_25 : vector<16xf32> to vector<16xf32>
    %eq3A_27 = arith.constant 0.000000e+00 : f32
    %eq3A_28 = vector.broadcast %eq3A_27 : f32 to vector<16xf32>
    %eq3A_29 = arith.cmpf oeq, %get3A_26, %eq3A_28 : vector<16xf32>
    %select_n3A_30 = arith.select %eq3A_29, %broadcast_in_dim3A_3, %broadcast_in_dim3A_5 : vector<16xi1>, vector<16xf32>
    %get3A_31 = arith.constant 64 : index
    %get3A_32 = tpu.vector_load %arg5[%get3A_31] {strides = array<i32>} : memref<128xf32, #tpu.memory_space<vmem>>, vector<16xf32>,
    %get3A_33 = vector.shape_cast %get3A_32 : vector<16xf32> to vector<16xf32>
    %eq3A_34 = arith.constant 0.000000e+00 : f32
    %eq3A_35 = vector.broadcast %eq3A_34 : f32 to vector<16xf32>
    %eq3A_36 = arith.cmpf oeq, %get3A_33, %eq3A_35 : vector<16xf32>
    %select_n3A_37 = arith.select %eq3A_36, %broadcast_in_dim3A_3, %broadcast_in_dim3A_5 : vector<16xi1>, vector<16xf32>
    %get3A_38 = arith.constant 80 : index
    %get3A_39 = tpu.vector_load %arg5[%get3A_38] {strides = array<i32>} : memref<128xf32, #tpu.memory_space<vmem>>, vector<16xf32>,
    %get3A_40 = vector.shape_cast %get3A_39 : vector<16xf32> to vector<16xf32>
    %eq3A_41 = arith.constant 0.000000e+00 : f32
    %eq3A_42 = vector.broadcast %eq3A_41 : f32 to vector<16xf32>
    %eq3A_43 = arith.cmpf oeq, %get3A_40, %eq3A_42 : vector<16xf32>
    %select_n3A_44 = arith.select %eq3A_43, %broadcast_in_dim3A_3, %broadcast_in_dim3A_5 : vector<16xi1>, vector<16xf32>
    %get3A_45 = arith.constant 96 : index
    %get3A_46 = tpu.vector_load %arg5[%get3A_45] {strides = array<i32>} : memref<128xf32, #tpu.memory_space<vmem>>, vector<16xf32>,
    %get3A_47 = vector.shape_cast %get3A_46 : vector<16xf32> to vector<16xf32>
    %eq3A_48 = arith.constant 0.000000e+00 : f32
    %eq3A_49 = vector.broadcast %eq3A_48 : f32 to vector<16xf32>
    %eq3A_50 = arith.cmpf oeq, %get3A_47, %eq3A_49 : vector<16xf32>
    %select_n3A_51 = arith.select %eq3A_50, %broadcast_in_dim3A_3, %broadcast_in_dim3A_5 : vector<16xi1>, vector<16xf32>
    %get3A_52 = arith.constant 112 : index
    %get3A_53 = tpu.vector_load %arg5[%get3A_52] {strides = array<i32>} : memref<128xf32, #tpu.memory_space<vmem>>, vector<16xf32>,
    %get3A_54 = vector.shape_cast %get3A_53 : vector<16xf32> to vector<16xf32>
    %eq3A_55 = arith.constant 0.000000e+00 : f32
    %eq3A_56 = vector.broadcast %eq3A_55 : f32 to vector<16xf32>
    %eq3A_57 = arith.cmpf oeq, %get3A_54, %eq3A_56 : vector<16xf32>
    %select_n3A_58 = arith.select %eq3A_57, %broadcast_in_dim3A_3, %broadcast_in_dim3A_5 : vector<16xi1>, vector<16xf32>
    %scan3A = arith.constant 0 : i32
    %scan3A_59 = arith.constant 0 : i32
    %scan3A_60 = arith.constant 64 : i32
    %scan3A_61 = arith.addi %scan3A_59, %scan3A_60 : i32
    %scan3A_62 = arith.constant 1 : i32
    scf.for %scan3A_136 = %scan3A_59 to %scan3A_61 step %scan3A_62  : i32 {
      %mul3A_137 = arith.constant 128 : i32
      %mul3A_138 = arith.muli %scan3A_136, %mul3A_137 : i32
      %add3A_139 = arith.constant 0 : i32
      %add3A_140 = arith.addi %mul3A_138, %add3A_139 : i32
      %swap3A = arith.index_cast %add3A_140 : i32 to index
      %swap3A_141 = tpu.vector_load %arg6[%swap3A] {strides = array<i32>} : memref<8192xf32, #tpu.memory_space<vmem>>, vector<16xf32>,
      %swap3A_142 = vector.shape_cast %swap3A_141 : vector<16xf32> to vector<16xf32>
      %swap3A_143 = vector.shape_cast %select_n3A : vector<16xf32> to vector<16xf32>
      tpu.vector_store %arg6[%swap3A], %swap3A_143 {strides = array<i32>} : memref<8192xf32, #tpu.memory_space<vmem>>, vector<16xf32>,
      %mul3A_144 = arith.constant 128 : i32
      %mul3A_145 = arith.muli %scan3A_136, %mul3A_144 : i32
      %add3A_146 = arith.constant 16 : i32
      %add3A_147 = arith.addi %mul3A_145, %add3A_146 : i32
      %swap3A_148 = arith.index_cast %add3A_147 : i32 to index
      %swap3A_149 = tpu.vector_load %arg6[%swap3A_148] {strides = array<i32>} : memref<8192xf32, #tpu.memory_space<vmem>>, vector<16xf32>,
      %swap3A_150 = vector.shape_cast %swap3A_149 : vector<16xf32> to vector<16xf32>
      %swap3A_151 = vector.shape_cast %select_n3A_16 : vector<16xf32> to vector<16xf32>
      tpu.vector_store %arg6[%swap3A_148], %swap3A_151 {strides = array<i32>} : memref<8192xf32, #tpu.memory_space<vmem>>, vector<16xf32>,
      %mul3A_152 = arith.constant 128 : i32
      %mul3A_153 = arith.muli %scan3A_136, %mul3A_152 : i32
      %add3A_154 = arith.constant 32 : i32
      %add3A_155 = arith.addi %mul3A_153, %add3A_154 : i32
      %swap3A_156 = arith.index_cast %add3A_155 : i32 to index
      %swap3A_157 = tpu.vector_load %arg6[%swap3A_156] {strides = array<i32>} : memref<8192xf32, #tpu.memory_space<vmem>>, vector<16xf32>,
      %swap3A_158 = vector.shape_cast %swap3A_157 : vector<16xf32> to vector<16xf32>
      %swap3A_159 = vector.shape_cast %select_n3A_23 : vector<16xf32> to vector<16xf32>
      tpu.vector_store %arg6[%swap3A_156], %swap3A_159 {strides = array<i32>} : memref<8192xf32, #tpu.memory_space<vmem>>, vector<16xf32>,
      %mul3A_160 = arith.constant 128 : i32
      %mul3A_161 = arith.muli %scan3A_136, %mul3A_160 : i32
      %add3A_162 = arith.constant 48 : i32
      %add3A_163 = arith.addi %mul3A_161, %add3A_162 : i32
      %swap3A_164 = arith.index_cast %add3A_163 : i32 to index
      %swap3A_165 = tpu.vector_load %arg6[%swap3A_164] {strides = array<i32>} : memref<8192xf32, #tpu.memory_space<vmem>>, vector<16xf32>,
      %swap3A_166 = vector.shape_cast %swap3A_165 : vector<16xf32> to vector<16xf32>
      %swap3A_167 = vector.shape_cast %select_n3A_30 : vector<16xf32> to vector<16xf32>
      tpu.vector_store %arg6[%swap3A_164], %swap3A_167 {strides = array<i32>} : memref<8192xf32, #tpu.memory_space<vmem>>, vector<16xf32>,
      %mul3A_168 = arith.constant 128 : i32
      %mul3A_169 = arith.muli %scan3A_136, %mul3A_168 : i32
      %add3A_170 = arith.constant 64 : i32
      %add3A_171 = arith.addi %mul3A_169, %add3A_170 : i32
      %swap3A_172 = arith.index_cast %add3A_171 : i32 to index
      %swap3A_173 = tpu.vector_load %arg6[%swap3A_172] {strides = array<i32>} : memref<8192xf32, #tpu.memory_space<vmem>>, vector<16xf32>,
      %swap3A_174 = vector.shape_cast %swap3A_173 : vector<16xf32> to vector<16xf32>
      %swap3A_175 = vector.shape_cast %select_n3A_37 : vector<16xf32> to vector<16xf32>
      tpu.vector_store %arg6[%swap3A_172], %swap3A_175 {strides = array<i32>} : memref<8192xf32, #tpu.memory_space<vmem>>, vector<16xf32>,
      %mul3A_176 = arith.constant 128 : i32
      %mul3A_177 = arith.muli %scan3A_136, %mul3A_176 : i32
      %add3A_178 = arith.constant 80 : i32
      %add3A_179 = arith.addi %mul3A_177, %add3A_178 : i32
      %swap3A_180 = arith.index_cast %add3A_179 : i32 to index
      %swap3A_181 = tpu.vector_load %arg6[%swap3A_180] {strides = array<i32>} : memref<8192xf32, #tpu.memory_space<vmem>>, vector<16xf32>,
      %swap3A_182 = vector.shape_cast %swap3A_181 : vector<16xf32> to vector<16xf32>
      %swap3A_183 = vector.shape_cast %select_n3A_44 : vector<16xf32> to vector<16xf32>
      tpu.vector_store %arg6[%swap3A_180], %swap3A_183 {strides = array<i32>} : memref<8192xf32, #tpu.memory_space<vmem>>, vector<16xf32>,
      %mul3A_184 = arith.constant 128 : i32
      %mul3A_185 = arith.muli %scan3A_136, %mul3A_184 : i32
      %add3A_186 = arith.constant 96 : i32
      %add3A_187 = arith.addi %mul3A_185, %add3A_186 : i32
      %swap3A_188 = arith.index_cast %add3A_187 : i32 to index
      %swap3A_189 = tpu.vector_load %arg6[%swap3A_188] {strides = array<i32>} : memref<8192xf32, #tpu.memory_space<vmem>>, vector<16xf32>,
      %swap3A_190 = vector.shape_cast %swap3A_189 : vector<16xf32> to vector<16xf32>
      %swap3A_191 = vector.shape_cast %select_n3A_51 : vector<16xf32> to vector<16xf32>
      tpu.vector_store %arg6[%swap3A_188], %swap3A_191 {strides = array<i32>} : memref<8192xf32, #tpu.memory_space<vmem>>, vector<16xf32>,
      %mul3A_192 = arith.constant 128 : i32
      %mul3A_193 = arith.muli %scan3A_136, %mul3A_192 : i32
      %add3A_194 = arith.constant 112 : i32
      %add3A_195 = arith.addi %mul3A_193, %add3A_194 : i32
      %swap3A_196 = arith.index_cast %add3A_195 : i32 to index
      %swap3A_197 = tpu.vector_load %arg6[%swap3A_196] {strides = array<i32>} : memref<8192xf32, #tpu.memory_space<vmem>>, vector<16xf32>,
      %swap3A_198 = vector.shape_cast %swap3A_197 : vector<16xf32> to vector<16xf32>
      %swap3A_199 = vector.shape_cast %select_n3A_58 : vector<16xf32> to vector<16xf32>
      tpu.vector_store %arg6[%swap3A_196], %swap3A_199 {strides = array<i32>} : memref<8192xf32, #tpu.memory_space<vmem>>, vector<16xf32>,
    }
    %scan3A_63 = arith.constant 64 : i32
    %scan3A_64 = arith.constant 0 : i32
    %scan3A_65 = arith.constant 0 : i32
    %scan3A_66 = arith.constant 32 : i32
    %scan3A_67 = arith.addi %scan3A_65, %scan3A_66 : i32
    %scan3A_68 = arith.constant 1 : i32
    scf.for %scan3A_136 = %scan3A_65 to %scan3A_67 step %scan3A_68  : i32 {
      %mul3A_137 = arith.constant 16 : i32
      %mul3A_138 = arith.muli %scan3A_136, %mul3A_137 : i32
      %swap3A = arith.index_cast %mul3A_138 : i32 to index
      %swap3A_139 = tpu.vector_load %arg7[%swap3A] {strides = array<i32>} : memref<512xf32, #tpu.memory_space<vmem>>, vector<16xf32>,
      %swap3A_140 = vector.shape_cast %swap3A_139 : vector<16xf32> to vector<16xf32>
      %swap3A_141 = vector.shape_cast %broadcast_in_dim3A_3 : vector<16xf32> to vector<16xf32>
      tpu.vector_store %arg7[%swap3A], %swap3A_141 {strides = array<i32>} : memref<512xf32, #tpu.memory_space<vmem>>, vector<16xf32>,
    }
    %scan3A_69 = arith.constant 32 : i32
    %add3A_70 = arith.constant 0 : i32
    %add3A_71 = arith.addi %mul3A_2, %add3A_70 : i32
    %mul3A_72 = arith.constant 128 : i32
    %mul3A_73 = arith.muli %add3A_71, %mul3A_72 : i32
    %dma_start3A = tpu.memref_slice %arg3[%mul3A_73] : memref<2097152xf32, #tpu.memory_space<hbm>> -> memref<8192xf32, #tpu.memory_space<hbm>>
    %dma_start3A_74 = tpu.memref_slice %arg3[%mul3A_73] : memref<2097152xf32, #tpu.memory_space<hbm>> -> memref<8192xf32, #tpu.memory_space<hbm>>
    tpu.enqueue_dma source(%arg6 : memref<8192xf32, #tpu.memory_space<vmem>>) target(%dma_start3A_74 : memref<8192xf32, #tpu.memory_space<hbm>>) target_semaphore(%arg8 : memref<!tpu.dma_semaphore, #tpu.memory_space<semaphore_mem>>)
    %add3A_75 = arith.constant 64 : i32
    %add3A_76 = arith.addi %mul3A_2, %add3A_75 : i32
    %mul3A_77 = arith.constant 128 : i32
    %mul3A_78 = arith.muli %add3A_76, %mul3A_77 : i32
    %dma_start3A_79 = tpu.memref_slice %arg3[%mul3A_78] : memref<2097152xf32, #tpu.memory_space<hbm>> -> memref<8192xf32, #tpu.memory_space<hbm>>
    %dma_start3A_80 = tpu.memref_slice %arg3[%mul3A_78] : memref<2097152xf32, #tpu.memory_space<hbm>> -> memref<8192xf32, #tpu.memory_space<hbm>>
    tpu.enqueue_dma source(%arg6 : memref<8192xf32, #tpu.memory_space<vmem>>) target(%dma_start3A_80 : memref<8192xf32, #tpu.memory_space<hbm>>) target_semaphore(%arg8 : memref<!tpu.dma_semaphore, #tpu.memory_space<semaphore_mem>>)
    %add3A_81 = arith.constant 128 : i32
    %add3A_82 = arith.addi %mul3A_2, %add3A_81 : i32
    %mul3A_83 = arith.constant 128 : i32
    %mul3A_84 = arith.muli %add3A_82, %mul3A_83 : i32
    %dma_start3A_85 = tpu.memref_slice %arg3[%mul3A_84] : memref<2097152xf32, #tpu.memory_space<hbm>> -> memref<8192xf32, #tpu.memory_space<hbm>>
    %dma_start3A_86 = tpu.memref_slice %arg3[%mul3A_84] : memref<2097152xf32, #tpu.memory_space<hbm>> -> memref<8192xf32, #tpu.memory_space<hbm>>
    tpu.enqueue_dma source(%arg6 : memref<8192xf32, #tpu.memory_space<vmem>>) target(%dma_start3A_86 : memref<8192xf32, #tpu.memory_space<hbm>>) target_semaphore(%arg8 : memref<!tpu.dma_semaphore, #tpu.memory_space<semaphore_mem>>)
    %add3A_87 = arith.constant 192 : i32
    %add3A_88 = arith.addi %mul3A_2, %add3A_87 : i32
    %mul3A_89 = arith.constant 128 : i32
    %mul3A_90 = arith.muli %add3A_88, %mul3A_89 : i32
    %dma_start3A_91 = tpu.memref_slice %arg3[%mul3A_90] : memref<2097152xf32, #tpu.memory_space<hbm>> -> memref<8192xf32, #tpu.memory_space<hbm>>
    %dma_start3A_92 = tpu.memref_slice %arg3[%mul3A_90] : memref<2097152xf32, #tpu.memory_space<hbm>> -> memref<8192xf32, #tpu.memory_space<hbm>>
    tpu.enqueue_dma source(%arg6 : memref<8192xf32, #tpu.memory_space<vmem>>) target(%dma_start3A_92 : memref<8192xf32, #tpu.memory_space<hbm>>) target_semaphore(%arg8 : memref<!tpu.dma_semaphore, #tpu.memory_space<semaphore_mem>>)
    %add3A_93 = arith.constant 256 : i32
    %add3A_94 = arith.addi %mul3A_2, %add3A_93 : i32
    %mul3A_95 = arith.constant 128 : i32
    %mul3A_96 = arith.muli %add3A_94, %mul3A_95 : i32
    %dma_start3A_97 = tpu.memref_slice %arg3[%mul3A_96] : memref<2097152xf32, #tpu.memory_space<hbm>> -> memref<8192xf32, #tpu.memory_space<hbm>>
    %dma_start3A_98 = tpu.memref_slice %arg3[%mul3A_96] : memref<2097152xf32, #tpu.memory_space<hbm>> -> memref<8192xf32, #tpu.memory_space<hbm>>
    tpu.enqueue_dma source(%arg6 : memref<8192xf32, #tpu.memory_space<vmem>>) target(%dma_start3A_98 : memref<8192xf32, #tpu.memory_space<hbm>>) target_semaphore(%arg8 : memref<!tpu.dma_semaphore, #tpu.memory_space<semaphore_mem>>)
    %add3A_99 = arith.constant 320 : i32
    %add3A_100 = arith.addi %mul3A_2, %add3A_99 : i32
    %mul3A_101 = arith.constant 128 : i32
    %mul3A_102 = arith.muli %add3A_100, %mul3A_101 : i32
    %dma_start3A_103 = tpu.memref_slice %arg3[%mul3A_102] : memref<2097152xf32, #tpu.memory_space<hbm>> -> memref<8192xf32, #tpu.memory_space<hbm>>
    %dma_start3A_104 = tpu.memref_slice %arg3[%mul3A_102] : memref<2097152xf32, #tpu.memory_space<hbm>> -> memref<8192xf32, #tpu.memory_space<hbm>>
    tpu.enqueue_dma source(%arg6 : memref<8192xf32, #tpu.memory_space<vmem>>) target(%dma_start3A_104 : memref<8192xf32, #tpu.memory_space<hbm>>) target_semaphore(%arg8 : memref<!tpu.dma_semaphore, #tpu.memory_space<semaphore_mem>>)
    %add3A_105 = arith.constant 384 : i32
    %add3A_106 = arith.addi %mul3A_2, %add3A_105 : i32
    %mul3A_107 = arith.constant 128 : i32
    %mul3A_108 = arith.muli %add3A_106, %mul3A_107 : i32
    %dma_start3A_109 = tpu.memref_slice %arg3[%mul3A_108] : memref<2097152xf32, #tpu.memory_space<hbm>> -> memref<8192xf32, #tpu.memory_space<hbm>>
    %dma_start3A_110 = tpu.memref_slice %arg3[%mul3A_108] : memref<2097152xf32, #tpu.memory_space<hbm>> -> memref<8192xf32, #tpu.memory_space<hbm>>
    tpu.enqueue_dma source(%arg6 : memref<8192xf32, #tpu.memory_space<vmem>>) target(%dma_start3A_110 : memref<8192xf32, #tpu.memory_space<hbm>>) target_semaphore(%arg8 : memref<!tpu.dma_semaphore, #tpu.memory_space<semaphore_mem>>)
    %add3A_111 = arith.constant 448 : i32
    %add3A_112 = arith.addi %mul3A_2, %add3A_111 : i32
    %mul3A_113 = arith.constant 128 : i32
    %mul3A_114 = arith.muli %add3A_112, %mul3A_113 : i32
    %dma_start3A_115 = tpu.memref_slice %arg3[%mul3A_114] : memref<2097152xf32, #tpu.memory_space<hbm>> -> memref<8192xf32, #tpu.memory_space<hbm>>
    %dma_start3A_116 = tpu.memref_slice %arg3[%mul3A_114] : memref<2097152xf32, #tpu.memory_space<hbm>> -> memref<8192xf32, #tpu.memory_space<hbm>>
    tpu.enqueue_dma source(%arg6 : memref<8192xf32, #tpu.memory_space<vmem>>) target(%dma_start3A_116 : memref<8192xf32, #tpu.memory_space<hbm>>) target_semaphore(%arg8 : memref<!tpu.dma_semaphore, #tpu.memory_space<semaphore_mem>>)
    %dma_start3A_117 = tpu.memref_slice %arg4[%mul3A_2] : memref<16384xf32, #tpu.memory_space<hbm>> -> memref<512xf32, #tpu.memory_space<hbm>>
    %dma_start3A_118 = tpu.memref_slice %arg4[%mul3A_2] : memref<16384xf32, #tpu.memory_space<hbm>> -> memref<512xf32, #tpu.memory_space<hbm>>
    tpu.enqueue_dma source(%arg7 : memref<512xf32, #tpu.memory_space<vmem>>) target(%dma_start3A_118 : memref<512xf32, #tpu.memory_space<hbm>>) target_semaphore(%arg8 : memref<!tpu.dma_semaphore, #tpu.memory_space<semaphore_mem>>)
    %dma_wait3A = tpu.memref_slice %arg3[%mul3A_73] : memref<2097152xf32, #tpu.memory_space<hbm>> -> memref<8192xf32, #tpu.memory_space<hbm>>
    %dma_wait3A_119 = tpu.memref_slice %arg3[%mul3A_73] : memref<2097152xf32, #tpu.memory_space<hbm>> -> memref<8192xf32, #tpu.memory_space<hbm>>
    tpu.wait_dma2 semaphore(%arg8 : memref<!tpu.dma_semaphore, #tpu.memory_space<semaphore_mem>>) src(%arg6 : memref<8192xf32, #tpu.memory_space<vmem>>) dst(%dma_wait3A_119 : memref<8192xf32, #tpu.memory_space<hbm>>)
    %dma_wait3A_120 = tpu.memref_slice %arg3[%mul3A_78] : memref<2097152xf32, #tpu.memory_space<hbm>> -> memref<8192xf32, #tpu.memory_space<hbm>>
    %dma_wait3A_121 = tpu.memref_slice %arg3[%mul3A_78] : memref<2097152xf32, #tpu.memory_space<hbm>> -> memref<8192xf32, #tpu.memory_space<hbm>>
    tpu.wait_dma2 semaphore(%arg8 : memref<!tpu.dma_semaphore, #tpu.memory_space<semaphore_mem>>) src(%arg6 : memref<8192xf32, #tpu.memory_space<vmem>>) dst(%dma_wait3A_121 : memref<8192xf32, #tpu.memory_space<hbm>>)
    %dma_wait3A_122 = tpu.memref_slice %arg3[%mul3A_84] : memref<2097152xf32, #tpu.memory_space<hbm>> -> memref<8192xf32, #tpu.memory_space<hbm>>
    %dma_wait3A_123 = tpu.memref_slice %arg3[%mul3A_84] : memref<2097152xf32, #tpu.memory_space<hbm>> -> memref<8192xf32, #tpu.memory_space<hbm>>
    tpu.wait_dma2 semaphore(%arg8 : memref<!tpu.dma_semaphore, #tpu.memory_space<semaphore_mem>>) src(%arg6 : memref<8192xf32, #tpu.memory_space<vmem>>) dst(%dma_wait3A_123 : memref<8192xf32, #tpu.memory_space<hbm>>)
    %dma_wait3A_124 = tpu.memref_slice %arg3[%mul3A_90] : memref<2097152xf32, #tpu.memory_space<hbm>> -> memref<8192xf32, #tpu.memory_space<hbm>>
    %dma_wait3A_125 = tpu.memref_slice %arg3[%mul3A_90] : memref<2097152xf32, #tpu.memory_space<hbm>> -> memref<8192xf32, #tpu.memory_space<hbm>>
    tpu.wait_dma2 semaphore(%arg8 : memref<!tpu.dma_semaphore, #tpu.memory_space<semaphore_mem>>) src(%arg6 : memref<8192xf32, #tpu.memory_space<vmem>>) dst(%dma_wait3A_125 : memref<8192xf32, #tpu.memory_space<hbm>>)
    %dma_wait3A_126 = tpu.memref_slice %arg3[%mul3A_96] : memref<2097152xf32, #tpu.memory_space<hbm>> -> memref<8192xf32, #tpu.memory_space<hbm>>
    %dma_wait3A_127 = tpu.memref_slice %arg3[%mul3A_96] : memref<2097152xf32, #tpu.memory_space<hbm>> -> memref<8192xf32, #tpu.memory_space<hbm>>
    tpu.wait_dma2 semaphore(%arg8 : memref<!tpu.dma_semaphore, #tpu.memory_space<semaphore_mem>>) src(%arg6 : memref<8192xf32, #tpu.memory_space<vmem>>) dst(%dma_wait3A_127 : memref<8192xf32, #tpu.memory_space<hbm>>)
    %dma_wait3A_128 = tpu.memref_slice %arg3[%mul3A_102] : memref<2097152xf32, #tpu.memory_space<hbm>> -> memref<8192xf32, #tpu.memory_space<hbm>>
    %dma_wait3A_129 = tpu.memref_slice %arg3[%mul3A_102] : memref<2097152xf32, #tpu.memory_space<hbm>> -> memref<8192xf32, #tpu.memory_space<hbm>>
    tpu.wait_dma2 semaphore(%arg8 : memref<!tpu.dma_semaphore, #tpu.memory_space<semaphore_mem>>) src(%arg6 : memref<8192xf32, #tpu.memory_space<vmem>>) dst(%dma_wait3A_129 : memref<8192xf32, #tpu.memory_space<hbm>>)
    %dma_wait3A_130 = tpu.memref_slice %arg3[%mul3A_108] : memref<2097152xf32, #tpu.memory_space<hbm>> -> memref<8192xf32, #tpu.memory_space<hbm>>
    %dma_wait3A_131 = tpu.memref_slice %arg3[%mul3A_108] : memref<2097152xf32, #tpu.memory_space<hbm>> -> memref<8192xf32, #tpu.memory_space<hbm>>
    tpu.wait_dma2 semaphore(%arg8 : memref<!tpu.dma_semaphore, #tpu.memory_space<semaphore_mem>>) src(%arg6 : memref<8192xf32, #tpu.memory_space<vmem>>) dst(%dma_wait3A_131 : memref<8192xf32, #tpu.memory_space<hbm>>)
    %dma_wait3A_132 = tpu.memref_slice %arg3[%mul3A_114] : memref<2097152xf32, #tpu.memory_space<hbm>> -> memref<8192xf32, #tpu.memory_space<hbm>>
    %dma_wait3A_133 = tpu.memref_slice %arg3[%mul3A_114] : memref<2097152xf32, #tpu.memory_space<hbm>> -> memref<8192xf32, #tpu.memory_space<hbm>>
    tpu.wait_dma2 semaphore(%arg8 : memref<!tpu.dma_semaphore, #tpu.memory_space<semaphore_mem>>) src(%arg6 : memref<8192xf32, #tpu.memory_space<vmem>>) dst(%dma_wait3A_133 : memref<8192xf32, #tpu.memory_space<hbm>>)
    %dma_wait3A_134 = tpu.memref_slice %arg4[%mul3A_2] : memref<16384xf32, #tpu.memory_space<hbm>> -> memref<512xf32, #tpu.memory_space<hbm>>
    %dma_wait3A_135 = tpu.memref_slice %arg4[%mul3A_2] : memref<16384xf32, #tpu.memory_space<hbm>> -> memref<512xf32, #tpu.memory_space<hbm>>
    tpu.wait_dma2 semaphore(%arg8 : memref<!tpu.dma_semaphore, #tpu.memory_space<semaphore_mem>>) src(%arg7 : memref<512xf32, #tpu.memory_space<vmem>>) dst(%dma_wait3A_135 : memref<512xf32, #tpu.memory_space<hbm>>)
    return
  }
}

</mosaic_0001>

<sc_bundles>
// kernel: kernel.3.cloned.1.call-start
scs
__scs_entry_jumppad:
0x0: {  	(pc) =	sbr.rel $0x88, $3  }
0x1: {  	(tag) =	ssettag $0x0;
	lr =	simm.s32 $0x1  }
0x2: {  	[smem:$0x3FA0] =	sst lr;
	_ =	strace $0xD0000000  }
0x3: {  	_ = 	snop  }
0x4: {  	_ = 	snop  }
0x5: {  	_ = 	snop  }
0x6: {  	_ = 	snop  }
0x7: {  	_ = 	snop  }
__scs_overlays_trampoline_lowered:
0x8: {  	[smem:$0x3FAF] =	sst s0  }
0x9: {  	[smem:$0x3FB0] =	sst s1  }
0xa: {  	[smem:$0x3FB1] =	sst s2  }
0xb: {  	[smem:$0x3FB2] =	sst s3  }
0xc: {  	[smem:$0x3FB3] =	sst s4  }
0xd: {  	[smem:$0x3FB4] =	sst s5  }
0xe: {  	[smem:$0x3FB5] =	sst s6  }
0xf: {  	[smem:$0x3FB6] =	sst s7  }
0x10: {  	[smem:$0x3FB7] =	sst s8  }
0x11: {  	[smem:$0x3FB8] =	sst s9;
	s0 =	simm.s32 @!p0 $0x0  }
0x12: {  	s1 =	sld [smem:$0x3F9E];
	s0 =	simm.s32 @p0 $0x1  }
0x13: {  	[smem:$0x3FB9] =	sst s0;
	s0 =	simm.s32 @!p1 $0x0  }
0x14: {  	s2 =	sld [smem:$0x3F9D];
	s0 =	simm.s32 @p1 $0x1  }
0x15: {  	[smem:$0x3FBA] =	sst s0;
	s0 =	simm.s32 @!p2 $0x0  }
0x16: {  	s3 =	sld [smem:$0x3FDB];
	s0 =	simm.s32 @p2 $0x1  }
0x17: {  	s4 =	simm.s32 $0x1BF5;
	[smem:$0x3FBC] =	sst s0  }
0x18: {  	s0 =	sld [smem:$0x3F9F];
	_ =	swait.ge [sflag:s4], $0x0  }
0x19: {  	s7 =	sld [smem:$0x3FA0]  }
0x1a: {  	s8 =	sadd.s32 $0xFFFFE003, lr  }
0x1b: {  	s9 =	sadd.s32 $0xFFFFFEF7, lr;
	s5 =	simm.s32 $0xFFFFFFFF;
	p2 =	slt.u32 s8, $0xFFFFF086  }
0x1c: {  	p1 =	slt.u32 s9, $0xF7A;
	s5 =	simm.s32 @!p2 $0x0  }
0x1d: {  	s5 =	simm.s32 @p1 $0x1;
	p0 =	seq.s32 s7, s2  }
0x1e: {  	s7 =	smul.u32 @!p0 $0xF7A, s2;
	p2 =	seq.s32 @!p0 s5, $0x0  }
0x1f: {  	s9 =	smul.u32 $0xF7A, s1;
	s8 =	simm.s32 @!p0 $0x1BF5;
	p2 =	por !p2, p0  }
0x20: {  	[sflag:s8] =	ssyncset.s32 @!p0 $0xFFFFF086;
	s6 =	sadd.s32 @!p0 s3, s7;
	s7 =	simm.s32 @!p0 $0x108  }
0x21: {  	s3 =	sadd.s32 s3, s9;
	s6 =	sadd.s32 @!p0 $0x88, s6;
	s7 =	simm.s32 @p2 $0x1082  }
0x22: {  	[simem:s7], [sflag:s8] =	dma.local @!p0 [hbm:s6], $0xF7A  }
0x23: {  	s9 =	sor.u32 $0xD0000000, s2;
	s6 =	simm.s32 $0x108;
	_ =	swait.ge @!p0 [sflag:s8], $0x0  }
0x24: {  	s3 =	sadd.s32 $0x88, s3;
	s6 =	simm.s32 @!p1 $0x1082;
	[sflag:s4] =	ssyncset.s32 $0xFFFFF086  }
0x25: {  	[simem:s6], [sflag:s4] =	dma.local [hbm:s3], $0xF7A  }
0x26: {  	[smem:$0x3FA0] =	sst s1;
	(tag) =	ssettag s2;
	_ =	strace s9  }
0x27: {  	s1 =	sld [smem:$0x3FB0]  }
0x28: {  	s2 =	sld [smem:$0x3FB1]  }
0x29: {  	s4 =	sld [smem:$0x3FB3]  }
0x2a: {  	p0 =	seq.s32 s5, $0x0;
	s5 =	sld [smem:$0x3FB4]  }
0x2b: {  	s6 =	sld [smem:$0x3FB5]  }
0x2c: {  	s7 =	sld [smem:$0x3FB6]  }
0x2d: {  	s3 =	simm.s32 $0x108;
	s8 =	sld [smem:$0x3FB7]  }
0x2e: {  	s3 =	simm.s32 @!p0 $0x1082;
	s9 =	sld [smem:$0x3FB8]  }
0x2f: {  	lr =	sadd.s32 s0, s3;
	s0 =	sld [smem:$0x3FAF]  }
0x30: {  	s3 =	sld [smem:$0x3FB2]  }
0x31: {  	[smem:$0x3FBB] =	sst s10  }
0x32: {  	s10 =	sld [smem:$0x3FB9];
	_ =	sdelay $0x3  }
0x33: {  	p0 =	seq.s32 s10, $0x1;
	s10 =	sld [smem:$0x3FBB];
	_ =	sdelay $0x3  }
0x34: {  	[smem:$0x3FBB] =	sst s10  }
0x35: {  	s10 =	sld [smem:$0x3FBA];
	_ =	sdelay $0x3  }
0x36: {  	p1 =	seq.s32 s10, $0x1;
	s10 =	sld [smem:$0x3FBB];
	_ =	sdelay $0x3  }
0x37: {  	[smem:$0x3FBB] =	sst s10  }
0x38: {  	s10 =	sld [smem:$0x3FBC]  }
0x39: {  	_ = 	snop;
	(pc) =	sbr.ind lr, $3  }
0x3a: {  	_ = 	snop  }
0x3b: {  	_ = 	snop  }
0x3c: {  	p2 =	seq.s32 s10, $0x1;
	s10 =	sld [smem:$0x3FBB]  }
0x3d: {  	_ =	shalt  }
0x3e: {  	_ =	shalt  }
0x3f: {  	_ =	shalt  }
0x40: {  	_ =	shalt  }
0x41: {  	_ =	shalt  }
0x42: {  	_ =	shalt  }
0x43: {  	_ =	shalt  }
0x44: {  	_ =	shalt  }
0x45: {  	_ =	shalt  }
0x46: {  	_ =	shalt  }
0x47: {  	_ =	shalt  }
0x48: {  	_ =	shalt  }
0x49: {  	_ =	shalt  }
0x4a: {  	_ =	shalt  }
0x4b: {  	_ =	shalt  }
0x4c: {  	_ =	shalt  }
0x4d: {  	_ =	shalt  }
0x4e: {  	_ =	shalt  }
0x4f: {  	_ =	shalt  }
0x50: {  	_ =	shalt  }
0x51: {  	_ =	shalt  }
0x52: {  	_ =	shalt  }
0x53: {  	_ =	shalt  }
0x54: {  	_ =	shalt  }
0x55: {  	_ =	shalt  }
0x56: {  	_ =	shalt  }
0x57: {  	_ =	shalt  }
0x58: {  	_ =	shalt  }
0x59: {  	_ =	shalt  }
0x5a: {  	_ =	shalt  }
0x5b: {  	_ =	shalt  }
0x5c: {  	_ =	shalt  }
0x5d: {  	_ =	shalt  }
0x5e: {  	_ =	shalt  }
0x5f: {  	_ =	shalt  }
0x60: {  	_ =	shalt  }
0x61: {  	_ =	shalt  }
0x62: {  	_ =	shalt  }
0x63: {  	_ =	shalt  }
0x64: {  	_ =	shalt  }
0x65: {  	_ =	shalt  }
0x66: {  	_ =	shalt  }
0x67: {  	_ =	shalt  }
0x68: {  	_ =	shalt  }
0x69: {  	_ =	shalt  }
0x6a: {  	_ =	shalt  }
0x6b: {  	_ =	shalt  }
0x6c: {  	_ =	shalt  }
0x6d: {  	_ =	shalt  }
0x6e: {  	_ =	shalt  }
0x6f: {  	_ =	shalt  }
0x70: {  	_ =	shalt  }
0x71: {  	_ =	shalt  }
0x72: {  	_ =	shalt  }
0x73: {  	_ =	shalt  }
0x74: {  	_ =	shalt  }
0x75: {  	_ =	shalt  }
0x76: {  	_ =	shalt  }
0x77: {  	_ =	shalt  }
0x78: {  	_ =	shalt  }
0x79: {  	_ =	shalt  }
0x7a: {  	_ =	shalt  }
0x7b: {  	_ =	shalt  }
0x7c: {  	_ =	shalt  }
0x7d: {  	_ =	shalt  }
0x7e: {  	_ =	shalt  }
0x7f: {  	_ =	shalt  }
0x80: {  	_ =	shalt  }
0x81: {  	_ =	shalt  }
0x82: {  	_ =	shalt  }
0x83: {  	_ =	shalt  }
0x84: {  	_ =	shalt  }
0x85: {  	_ =	shalt  }
0x86: {  	_ =	shalt  }
0x87: {  	_ =	shalt  }
.Lfunc_end0:
.L_simem_size_0:
called_computation_lowered:
.L_overlay_start_0:
0x88: {  	s2 =	sld [smem:$0x3FD9]  }
0x89: {  	s3 =	sld [smem:$0x3FFE];
	_ =	sdelay $0x1  }
0x8a: {  	s1 =	srdreg.scid  }
0x8b: {  	s0 =	sand.u32 $0x1, s1  }
0x8c: {  	s15 =	sshll.u32 s0, $0xA;
	s2 =	sadd.s32 s3, s2  }
0x8d: {  	s2 =	sadd.s32 s2, s15  }
0x8e: {  	[smem:$0x3FC7] =	sst s2  }
0x8f: {  	_ = 	snop  }
0x90: {  	s2 =	sld [smem:$0x3FD0];
	_ =	sdelay $0x2  }
0x91: {  	s4 =	simm.s32 $0xA;
	s5 =	simm.s32 $0x10;
	s16 =	sld [smem:$0x3FC9]  }
0x92: {  	[smem:s5], [sflag:s4] =	dma.local [hbm:s2], $0x1  }
0x93: {  	_ =	swait.eq [sflag:s4], $0x1  }
0x94: {  	[sflag:s4] =	ssyncset.done $0x0  }
0x95: {  	s17 =	sld [smem:$0x10];
	[sflag:s4] =	ssyncadd.s32 $0xFFFFFFFF  }
0x96: {  	s18 =	sld [smem:$0x11];
	(tm) =	ssettm $0x1  }
0x97: {  	s19 =	sld [smem:$0x3FFB];
	_ =	sdelay $0x3  }
0x98: {  	_ =	strace s19  }
0x99: {  	s5 =	sld [smem:$0x3FFC];
	_ =	sdelay $0x3  }
0x9a: {  	_ =	strace s5  }
0x9b: {  	s5 =	sld [smem:$0x3FFD];
	_ =	sdelay $0x3  }
0x9c: {  	_ =	strace s5  }
0x9d: {  	_ =	strace $0x8FFFFFFF  }
0x9e: {  	s20 =	sld [smem:$0x3FDB];
	_ =	sdelay $0x1  }
0x9f: {  	s6 =	simm.s32 $_scs_section_size  }
0xa0: {  	s7 =	simm.s32 $_size__tile_overlayer_lowered;
	s8 =	simm.s32 $_tile_overlayer_lowered  }
0xa1: {  	s23 =	simm.s32 $0x1BFF;
	s22 =	sshll.u32 s8, $0x1;
	s5 =	sadd.s32 s6, s20  }
0xa2: {  	s9 =	simm.s32 $0x0;
	s21 =	sshll.u32 s7, $0x1;
	s7 =	sadd.s32 s22, s5  }
0xa3: {  	[timem:s9], [sflag:s23] =	dma.local [hbm:s7], s21  }
0xa4: {  	_ =	swait.ge [sflag:s23], s21  }
0xa5: {  	s6 =	ssub.s32 $0x0, s21;
	[sflag:s23] =	ssyncset.done $0x0  }
0xa6: {  	[sflag:s23] =	ssyncadd.s32 s6;
	_ =	sdelay $0x1  }
0xa7: {  	s24 =	simm.s32 $0x1B8B  }
0xa8: {  	_ =	swait.ge [sflag:s24], $0x1  }
0xa9: {  	[sflag:s24] =	ssyncset.done $0x0  }
0xaa: {  	s25 =	simm.s32 $0x1B8E;
	[sflag:s24] =	ssyncadd.s32 $0xFFFFFFFF  }
0xab: {  	s26 =	simm.s32 $execute0_lowered;
	[smem:$0x3FD2] =	sst s25  }
0xac: {  	s6 =	sshll.u32 s26, $0x1;
	_ =	strace $0x80000046;
	[dreg:$0x1] =	wrdreg $0xFFFFFFFF  }
0xad: {  	s28 =	simm.s32 $_size_execute0_lowered;
	s5 =	sadd.s32 s5, s6;
	[dreg:$0x0] =	wrdreg $0x0  }
0xae: {  	s6 =	sshll.u32 s28, $0x1;
	[dreg:$0x2] =	wrdreg s5  }
0xaf: {  	[dreg:$0x3] =	wrdreg s6  }
0xb0: {  	[dreg:$0x4] =	wrdreg $0xC0  }
0xb1: {  	_ =	task [dreg:s9], $0x5FFFF  }
0xb2: {  	[dreg:$0x1] =	wrdreg $0xFFFFFFFF  }
0xb3: {  	[dreg:$0x0] =	wrdreg $0x60  }
0xb4: {  	[dreg:$0x2] =	wrdreg s16  }
0xb5: {  	[dreg:$0x3] =	wrdreg s17  }
0xb6: {  	[dreg:$0x4] =	wrdreg s18  }
0xb7: {  	[dreg:$0x5] =	wrdreg $0x9  }
0xb8: {  	_ =	task.clear_ibuf [dreg:s9], $0x6FFFF;
	_ =	strace $0x90000046  }
0xb9: {  	s29 =	simm.s32 $0x9;
	_ =	strace $0x80000048  }
0xba: {  	_ =	swait.ge [sflag:s29], $0x1  }
0xbb: {  	[sflag:s29] =	ssyncadd.s32 $0xFFFFFFFF  }
0xbc: {  	_ =	strace $0x90000048  }
0xbd: {  	_ =	sfence  }
0xbe: {  	s30 =	sld [smem:$0x0];
	_ =	sdelay $0x2  }
0xbf: {  	s31 =	sshll.u32 s1, $0xD;
	s1 =	sshrl.u32 s1, $0x2  }
0xc0: {  	s3 =	sand.u32 $0x4000, s31;
	s1 =	sadd.s32 s1, s30  }
0xc1: {  	s0 =	sor.u32 s3, s0;
	s1 =	sshll.u32 s1, $0x11  }
0xc2: {  	s0 =	sor.u32 s1, s0  }
0xc3: {  	s0 =	sadd.s32 $0x8F2B, s0  }
0xc4: {  	[sflag:s0] =	ssyncadd.remote.s32 $0x1  }
0xc5: {  	_ =	sfence.sel $0xFFFF  }
0xc6: {  	[dreg:$0x0] =	wrdreg $0xFFFFFFFF;
	(pc) =	sbr.abs _section_cstart, $3  }
0xc7: {  	[dreg:$0x1] =	wrdreg $0xFFFFFFFF  }
0xc8: {  	_ =	task.clear_ibuf [dreg:s9], $0x2FFFF;
	_ =	strace $0x9FFFFFFF  }
0xc9: {  	(tm) =	ssettm $0x7FFFFFFF  }
tec
execute0_lowered:
.L_overlay_start_1:
0x0: {  	(tag) =	ssettag $0x1  }
0x1: {  	s2 =	rddreg [dreg:$0x0]  }
0x2: {  	s4 =	rddreg [dreg:$0x1]  }
0x3: {  	s12 =	rddreg [dreg:$0x2]  }
0x4: {  	s3 =	srdreg.scid;
	s1 =	stileid.u32  }
0x5: {  	s0 =	rddreg [dreg:$0x3];
	s15 =	simm.s32 $0x80;
	s16 =	simm.s32 $0x2080  }
0x6: {  	s17 =	simm.s32 $0x1;
	s18 =	simm.s32 $0x0;
	s5 =	sand.u32 $0x1, s3  }
0x7: {  	s6 =	sshll.u32 s1, $0x1;
	s3 =	simm.s32 $0x0;
	s7 =	ssub.s32 $0x2, s5  }
0x8: {  	s10 =	sor.u32 s5, s6;
	[smem:$0x7FF] =	sst s3;
	s31 =	sshrl.u32 s7, $0x1  }
0x9: {  	s6 =	sshll.u32 s10, $0xD;
	_ =	strace $0x80000047;
	s14 =	sshll.u32 s10, $0x6  }
0xa: {  	s13 =	ssub.s32 s7, s31;
	s4 =	sadd.s32 s4, s6;
	s12 =	sadd.s32 s12, s14  }
0xb: {  	s14 =	simm.s32 $0x2;
	s5 =	sadd.s32 $0x400, s4;
	s6 =	sadd.s32 $0x800, s4  }
0xc: {  	s7 =	sadd.s32 $0xC00, s4;
	s8 =	sadd.s32 $0x1000, s4;
	s9 =	sadd.s32 $0x1400, s4  }
0xd: {  	v0 =	vimm.f32 $-1.000000000e+05;
	v1 =	vimm.f32 $0.0e+00;
	s10 =	sadd.s32 $0x1800, s4;
	s11 =	sadd.s32 $0x1C00, s4;
	s13 =	smax.u32 s13, $0x1  }
.LBB2_1:
0xe: {  	[tilespmem:s3], [sflag:$0x2] =	stream.linear.gather [hbm4b:s2+s3], $0x80, $0x38;
	[tilespmem:$0x2280] =	vst v63  }
0xf: {  	_ =	swait.ge [sflag:s14], $0x80  }
0x10: {  	[sflag:s14] =	ssyncset.done $0x0  }
0x11: {  	[sflag:s14] =	ssyncadd.s32 $0xFFFFFF80  }
0x12: {  	v2 =	vld [tilespmem:$0x0]  }
0x13: {  	v3 =	vld [tilespmem:$0x10]  }
0x14: {  	v4 =	vld [tilespmem:$0x20]  }
0x15: {  	v5 =	vld [tilespmem:$0x30]  }
0x16: {  	v6 =	vld [tilespmem:$0x40]  }
0x17: {  	v7 =	vld [tilespmem:$0x50]  }
0x18: {  	v8 =	vld [tilespmem:$0x60]  }
0x19: {  	v9 =	vld [tilespmem:$0x70];
	_ =	sdelay $0x1  }
0x1a: {  	vm0 =	veq.f32 v2, $0.0e+00  }
0x1b: {  	vm1 =	veq.f32 v3, $0.0e+00;
	vm11 =	veq.f32 v4, $0.0e+00;
	vm12 =	veq.f32 v5, $0.0e+00  }
0x1c: {  	vm2 =	veq.f32 v6, $0.0e+00;
	vm13 =	veq.f32 v7, $0.0e+00;
	vm14 =	veq.f32 v8, $0.0e+00  }
0x1d: {  	vm15 =	veq.f32 v9, $0.0e+00;
	v2 =	vsel vm0, $0x0, v0;
	v3 =	vsel vm1, $0x0, v0  }
0x1e: {  	v4 =	vsel vm11, $0x0, v0;
	v5 =	vsel vm12, $0x0, v0;
	v6 =	vsel vm2, $0x0, v0  }
0x1f: {  	s19 =	simm.s32 $0x0;
	s20 =	simm.s32 $0x200;
	v7 =	vsel vm13, $0x0, v0;
	v8 =	vsel vm14, $0x0, v0;
	v9 =	vsel vm15, $0x0, v0  }
.LBB2_2:
0x20: {  	p0 =	sne.s32 s20, $0x7E00;
	[tilespmem:s19+$0xF0] =	vst v9  }
0x21: {  	[tilespmem:s19+$0x80] =	vst v2  }
0x22: {  	[tilespmem:s19+$0x90] =	vst v3  }
.Ltmp0:
0x23: {  	[tilespmem:s19+$0xA0] =	vst v4;
	(pc) =	sbr.rel @p0 .LBB2_2-.Ltmp0, $4  }
0x24: {  	[tilespmem:s19+$0xB0] =	vst v5  }
0x25: {  	[tilespmem:s19+$0xC0] =	vst v6  }
0x26: {  	[tilespmem:s19+$0xD0] =	vst v7  }
0x27: {  	[tilespmem:s19+$0xE0] =	vst v8;
	s19 =	sshra.s32 s20, $0x2;
	s20 =	sadd.s32 $0x200, s20  }
0x28: {  	[tilespmem:s19+$0xF0] =	vst v9  }
0x29: {  	[tilespmem:s19+$0x80] =	vst v2  }
0x2a: {  	[tilespmem:s19+$0x90] =	vst v3  }
0x2b: {  	[tilespmem:s19+$0xA0] =	vst v4  }
0x2c: {  	[tilespmem:s19+$0xB0] =	vst v5  }
0x2d: {  	[tilespmem:s19+$0xC0] =	vst v6  }
0x2e: {  	[tilespmem:s19+$0xD0] =	vst v7  }
0x2f: {  	[tilespmem:s19+$0xE0] =	vst v8  }
0x30: {  	[tilespmem:$0x2080] =	vst v1  }
0x31: {  	[tilespmem:$0x2090] =	vst v1  }
0x32: {  	[tilespmem:$0x20A0] =	vst v1  }
0x33: {  	[tilespmem:$0x20B0] =	vst v1  }
0x34: {  	[tilespmem:$0x20C0] =	vst v1  }
0x35: {  	[tilespmem:$0x20D0] =	vst v1  }
0x36: {  	[tilespmem:$0x20E0] =	vst v1  }
0x37: {  	[tilespmem:$0x20F0] =	vst v1  }
0x38: {  	[tilespmem:$0x2100] =	vst v1  }
0x39: {  	[tilespmem:$0x2110] =	vst v1  }
0x3a: {  	[tilespmem:$0x2120] =	vst v1  }
0x3b: {  	[tilespmem:$0x2130] =	vst v1  }
0x3c: {  	[tilespmem:$0x2140] =	vst v1  }
0x3d: {  	[tilespmem:$0x2150] =	vst v1  }
0x3e: {  	[tilespmem:$0x2160] =	vst v1  }
0x3f: {  	[tilespmem:$0x2170] =	vst v1  }
0x40: {  	[tilespmem:$0x2180] =	vst v1  }
0x41: {  	[tilespmem:$0x2190] =	vst v1  }
0x42: {  	[tilespmem:$0x21A0] =	vst v1  }
0x43: {  	[tilespmem:$0x21B0] =	vst v1  }
0x44: {  	[tilespmem:$0x21C0] =	vst v1  }
0x45: {  	[tilespmem:$0x21D0] =	vst v1  }
0x46: {  	[tilespmem:$0x21E0] =	vst v1  }
0x47: {  	[tilespmem:$0x21F0] =	vst v1  }
0x48: {  	[tilespmem:$0x2200] =	vst v1  }
0x49: {  	[tilespmem:$0x2210] =	vst v1  }
0x4a: {  	[tilespmem:$0x2220] =	vst v1  }
0x4b: {  	[tilespmem:$0x2230] =	vst v1  }
0x4c: {  	[tilespmem:$0x2240] =	vst v1  }
0x4d: {  	[tilespmem:$0x2250] =	vst v1  }
0x4e: {  	[tilespmem:$0x2260] =	vst v1  }
0x4f: {  	[tilespmem:$0x2270] =	vst v1  }
0x50: {  	[hbm4b:s4+s3] =	stream.linear.scatter [tilespmem:s15], [sflag:$0x1], $0x2000, $0x38;
	[tilespmem:$0x2280] =	vst v63  }
0x51: {  	_ = 	snop  }
0x52: {  	[hbm4b:s5+s3] =	stream.linear.scatter [tilespmem:s15], [sflag:$0x1], $0x2000, $0x38;
	[tilespmem:$0x2280] =	vst v63  }
0x53: {  	_ = 	snop  }
0x54: {  	[hbm4b:s6+s3] =	stream.linear.scatter [tilespmem:s15], [sflag:$0x1], $0x2000, $0x38;
	[tilespmem:$0x2280] =	vst v63  }
0x55: {  	_ = 	snop  }
0x56: {  	[hbm4b:s7+s3] =	stream.linear.scatter [tilespmem:s15], [sflag:$0x1], $0x2000, $0x38;
	[tilespmem:$0x2280] =	vst v63  }
0x57: {  	_ = 	snop  }
0x58: {  	[hbm4b:s8+s3] =	stream.linear.scatter [tilespmem:s15], [sflag:$0x1], $0x2000, $0x38;
	[tilespmem:$0x2280] =	vst v63  }
0x59: {  	_ = 	snop  }
0x5a: {  	[hbm4b:s9+s3] =	stream.linear.scatter [tilespmem:s15], [sflag:$0x1], $0x2000, $0x38;
	[tilespmem:$0x2280] =	vst v63  }
0x5b: {  	_ = 	snop  }
0x5c: {  	[hbm4b:s10+s3] =	stream.linear.scatter [tilespmem:s15], [sflag:$0x1], $0x2000, $0x38;
	[tilespmem:$0x2280] =	vst v63  }
0x5d: {  	_ = 	snop  }
0x5e: {  	[hbm4b:s11+s3] =	stream.linear.scatter [tilespmem:s15], [sflag:$0x1], $0x2000, $0x38;
	[tilespmem:$0x2280] =	vst v63  }
0x5f: {  	_ = 	snop  }
0x60: {  	[hbm4b:s12+s3] =	stream.linear.scatter [tilespmem:s16], [sflag:$0x1], $0x200, $0x38;
	[tilespmem:$0x2280] =	vst v63  }
0x61: {  	_ =	swait.ge [sflag:s17], $0x2000  }
0x62: {  	[sflag:s17] =	ssyncset.done $0x0  }
0x63: {  	[sflag:s17] =	ssyncadd.s32 $0xFFFFE000  }
0x64: {  	_ =	swait.ge [sflag:s17], $0x2000  }
0x65: {  	[sflag:s17] =	ssyncset.done $0x0  }
0x66: {  	[sflag:s17] =	ssyncadd.s32 $0xFFFFE000  }
0x67: {  	_ =	swait.ge [sflag:s17], $0x2000  }
0x68: {  	[sflag:s17] =	ssyncset.done $0x0  }
0x69: {  	[sflag:s17] =	ssyncadd.s32 $0xFFFFE000  }
0x6a: {  	_ =	swait.ge [sflag:s17], $0x2000  }
0x6b: {  	[sflag:s17] =	ssyncset.done $0x0  }
0x6c: {  	[sflag:s17] =	ssyncadd.s32 $0xFFFFE000  }
0x6d: {  	_ =	swait.ge [sflag:s17], $0x2000  }
0x6e: {  	[sflag:s17] =	ssyncset.done $0x0  }
0x6f: {  	[sflag:s17] =	ssyncadd.s32 $0xFFFFE000  }
0x70: {  	_ =	swait.ge [sflag:s17], $0x2000  }
0x71: {  	[sflag:s17] =	ssyncset.done $0x0  }
0x72: {  	[sflag:s17] =	ssyncadd.s32 $0xFFFFE000  }
0x73: {  	_ =	swait.ge [sflag:s17], $0x2000  }
0x74: {  	[sflag:s17] =	ssyncset.done $0x0  }
0x75: {  	s18 =	sadd.s32 $0x1, s18;
	[sflag:s17] =	ssyncadd.s32 $0xFFFFE000  }
0x76: {  	p0 =	sne.s32 s18, s13;
	_ =	swait.ge [sflag:s17], $0x2000  }
.Ltmp1:
0x77: {  	[sflag:s17] =	ssyncset.done $0x0;
	(pc) =	sbr.rel @p0 .LBB2_1-.Ltmp1, $4  }
0x78: {  	[sflag:s17] =	ssyncadd.s32 $0xFFFFE000  }
0x79: {  	_ =	swait.ge [sflag:s17], $0x200  }
0x7a: {  	[sflag:s17] =	ssyncset.done $0x0  }
0x7b: {  	[sflag:s17] =	ssyncadd.s32 $0xFFFFFE00  }
0x7c: {  	_ =	sfence.sel $0x180000  }
0x7d: {  	[bflag:$0x0] =	sbarrier.arrive $0xFFFF  }
0x7e: {  	p0 =	sne.s32 s1, $0x0;
	_ =	strace $0x90000047  }
0x7f: {  	s0 =	sadd.s32 @!p0 $0x100000, s0;
	[bflag:$0x2] =	sbarrier.arrive $0xFFFF  }
0x80: {  	[sflag:s0] =	ssyncadd.tile.s32 @!p0 $0x1;
	_ =	shalt  }
.Lfunc_end2:
_tile_overlayer_lowered:
.L_overlay_start_2:
0x81: {  	(tag) =	ssettag $0x2  }
0x82: {  	s0 =	rddreg [dreg:$0x0];
	s2 =	stileid.u32  }
0x83: {  	s1 =	rddreg [dreg:$0x1];
	p0 =	sne.s32 s2, $0x0  }
0x84: {  	s3 =	rddreg [dreg:$0x2];
	[bflag:$0x3] =	sbarrier.arrive $0xFFFF;
	s2 =	simm.s32 @!p0 $0x1C02  }
0x85: {  	[timem:s3], [sflag:s2] =	dma.local @!p0 [hbm:s0], s1  }
0x86: {  	s0 =	simm.s32 @!p0 $0x2  }
0x87: {  	_ =	swait.ge @!p0 [sflag:s0], s1  }
0x88: {  	s1 =	ssub.s32 @!p0 $0x0, s1;
	[sflag:s0] =	ssyncset.done @!p0 $0x0  }
0x89: {  	[sflag:s0] =	ssyncadd.s32 @!p0 s1  }
0x8a: {  	[bflag:$0x3] =	sbarrier.arrive $0xFFFF  }
0x8b: {  	_ =	shalt  }

</sc_bundles>
